<compile_context>
chip_gen: v7x
topology: tpu7x:2x2x1
jax: 0.10.2.dev20260603
libtpu: 0.0.44.dev20260713+nightly
codegen_flags: <defaults>
</compile_context>

<pallas_src>
import functools

import jax
import jax.numpy as jnp
from jax import lax
from jax.experimental import pallas as pl
from jax.experimental.pallas import tpu as pltpu
from jax.experimental.pallas import tpu_sc as plsc

_NC = 2
_NS = 16
_NW = _NC * _NS


def _make_sc_broadcast(B, S, H, chunk):
    rows_per_w = S // _NW
    n_chunks = rows_per_w // chunk
    mesh = plsc.VectorSubcoreMesh(core_axis_name="c", subcore_axis_name="s")

    @functools.partial(
        pl.kernel,
        mesh=mesh,
        out_type=jax.ShapeDtypeStruct((B, S, H), jnp.float32),
        scratch_types=[
            pltpu.VMEM((chunk, H), jnp.float32),
            pltpu.VMEM_SHARED((_NS, chunk, H), jnp.float32),
            pltpu.SemaphoreType.DMA,
            pltpu.SemaphoreType.DMA,
        ],
    )
    def sc_broadcast(tab_hbm, out_hbm, buf, shared, sem_t, sem_s):
        sid = lax.axis_index("s")
        wid = sid * _NC + lax.axis_index("c")
        base = wid * rows_per_w
        my = shared.at[sid]

        def step(j, carry):
            r0 = base + j * chunk
            src = tab_hbm.at[pl.ds(r0, chunk)]
            in_t = pltpu.async_copy(src, buf, sem_t)
            in_s = pltpu.async_copy(src, my, sem_s)
            in_t.wait()
            t_copies = [
                pltpu.async_copy(buf, out_hbm.at[b, pl.ds(r0, chunk)], sem_t)
                for b in range(B // 2)
            ]
            in_s.wait()
            s_copies = [
                pltpu.async_copy(my, out_hbm.at[b, pl.ds(r0, chunk)], sem_s)
                for b in range(B // 2, B)
            ]
            for c in t_copies:
                c.wait()
            for c in s_copies:
                c.wait()
            return carry

        lax.fori_loop(0, n_chunks, step, 0)

    return sc_broadcast


def kernel(inputs, position_embeddings):
    B, S, H = inputs.shape
    table = position_embeddings[:S]
    return _make_sc_broadcast(B, S, H, chunk=64)(table)

# --- scband reference (transcript-rebuilt; emitter-appended) ---
"""Pipeline reference for scband-sinusoidal-positional-embedding-30966714204549 (READ-ONLY COPY).

The authoritative reference and input builder live on the scoring server;
editing this copy changes nothing except your own understanding.
"""

import jax, jax.numpy as jnp
import numpy as np

MAX_POS = 8192
HIDDEN = 1024
BATCH = 4
SEQ_LEN = 8192

def _make_sinusoidal_table(T, D):
    pos = np.arange(T, dtype=np.float64)[:, None]
    j = np.arange(D, dtype=np.float64)[None, :]
    angle = pos / np.power(10000.0, 2.0 * (j // 2) / D)
    table = np.empty((T, D), dtype=np.float32)
    table[:, 0::2] = np.sin(angle[:, 0::2]).astype(np.float32)
    table[:, 1::2] = np.cos(angle[:, 1::2]).astype(np.float32)
    return jnp.asarray(table)

def setup_inputs(seed: int = 0) -> dict:
    key = jax.random.key(seed)
    k1, _ = jax.random.split(key)
    inputs = jax.random.normal(k1, (BATCH, SEQ_LEN, HIDDEN), dtype=jnp.float32)
    position_embeddings = _make_sinusoidal_table(MAX_POS, HIDDEN)
    return {"inputs": inputs, "position_embeddings": position_embeddings}

def reference(inputs, position_embeddings):
    bsz, seq_len = inputs.shape[:2]
    past_key_values_length = 0
    position_ids = jnp.arange(past_key_values_length, past_key_values_length + seq_len, dtype=jnp.int32)
    position_ids = jnp.broadcast_to(position_ids[None, :], (bsz, seq_len))
    return jnp.take(position_embeddings, position_ids, axis=0)

if __name__ == "__main__":
    import jax
    _d = setup_inputs()
    print(jax.jit(kernel)(*tuple(_d.values())))

</pallas_src>

<mosaic_0001>
#map = affine_map<(d0, d1) -> (0, 0)>
#map1 = affine_map<(d0, d1) -> (0, 0, 0)>
module attributes {stable_mosaic.version = 14 : i64} {
  func.func @sc_broadcast(%arg0: i32, %arg1: i32, %arg2: memref<8192x1024xf32, #tpu.memory_space<hbm>>, %arg3: memref<4x8192x1024xf32, #tpu.memory_space<hbm>>, %arg4: memref<64x1024xf32, #tpu.memory_space<vmem>>, %arg5: memref<16x64x1024xf32, #tpu.memory_space<vmem_shared>>, %arg6: memref<!tpu.dma_semaphore, #tpu.memory_space<semaphore_mem>>, %arg7: memref<!tpu.dma_semaphore, #tpu.memory_space<semaphore_mem>>) attributes {dimension_semantics = [#tpu.dimension_semantics<core_parallel>, #tpu.dimension_semantics<subcore_parallel>], iteration_bounds = array<i64: 2, 16>, scalar_prefetch = 0 : i64, scratch_operands = 4 : i64, tpu.core_type = #tpu.core_type<sc_vector_subcore>, window_params = [{transform_indices = #map}, {transform_indices = #map1}]} {
    %mul3A = arith.constant 2 : i32
    %mul3A_0 = arith.muli %arg1, %mul3A : i32
    %add3A = arith.addi %mul3A_0, %arg0 : i32
    %mul3A_1 = arith.constant 256 : i32
    %mul3A_2 = arith.muli %add3A, %mul3A_1 : i32
    %scan3A = arith.constant 0 : i32
    %scan3A_3 = arith.constant 0 : i32
    %scan3A_4 = arith.constant 4 : i32
    %scan3A_5 = arith.addi %scan3A_3, %scan3A_4 : i32
    %scan3A_6 = arith.constant 1 : i32
    scf.for %scan3A_8 = %scan3A_3 to %scan3A_5 step %scan3A_6  : i32 {
      %mul3A_9 = arith.constant 64 : i32
      %mul3A_10 = arith.muli %scan3A_8, %mul3A_9 : i32
      %add3A_11 = arith.addi %mul3A_2, %mul3A_10 : i32
      %dma_start3A = arith.constant 0 : i32
      %dma_start3A_12 = tpu.memref_slice %arg2[%add3A_11, %dma_start3A] : memref<8192x1024xf32, #tpu.memory_space<hbm>> -> memref<64x1024xf32, #tpu.memory_space<hbm>>
      %dma_start3A_13 = arith.constant 0 : i32
      %dma_start3A_14 = tpu.memref_slice %arg2[%add3A_11, %dma_start3A_13] : memref<8192x1024xf32, #tpu.memory_space<hbm>> -> memref<64x1024xf32, #tpu.memory_space<hbm>>
      tpu.enqueue_dma source(%dma_start3A_14 : memref<64x1024xf32, #tpu.memory_space<hbm>>) target(%arg4 : memref<64x1024xf32, #tpu.memory_space<vmem>>) target_semaphore(%arg6 : memref<!tpu.dma_semaphore, #tpu.memory_space<semaphore_mem>>)
      %dma_start3A_15 = arith.constant 0 : i32
      %dma_start3A_16 = arith.constant 0 : i32
      %dma_start3A_17 = tpu.memref_slice %arg5[%arg1, %dma_start3A_15, %dma_start3A_16] : memref<16x64x1024xf32, #tpu.memory_space<vmem_shared>> -> memref<1x64x1024xf32, #tpu.memory_space<vmem_shared>>
      %dma_start3A_18 = tpu.memref_squeeze %dma_start3A_17 : memref<1x64x1024xf32, #tpu.memory_space<vmem_shared>> -> memref<64x1024xf32, #tpu.memory_space<vmem_shared>>
      %dma_start3A_19 = arith.constant 0 : i32
      %dma_start3A_20 = tpu.memref_slice %arg2[%add3A_11, %dma_start3A_19] : memref<8192x1024xf32, #tpu.memory_space<hbm>> -> memref<64x1024xf32, #tpu.memory_space<hbm>>
      tpu.enqueue_dma source(%dma_start3A_20 : memref<64x1024xf32, #tpu.memory_space<hbm>>) target(%dma_start3A_18 : memref<64x1024xf32, #tpu.memory_space<vmem_shared>>) target_semaphore(%arg7 : memref<!tpu.dma_semaphore, #tpu.memory_space<semaphore_mem>>)
      %dma_wait3A = arith.constant 0 : i32
      %dma_wait3A_21 = tpu.memref_slice %arg2[%add3A_11, %dma_wait3A] : memref<8192x1024xf32, #tpu.memory_space<hbm>> -> memref<64x1024xf32, #tpu.memory_space<hbm>>
      %dma_wait3A_22 = arith.constant 0 : i32
      %dma_wait3A_23 = tpu.memref_slice %arg2[%add3A_11, %dma_wait3A_22] : memref<8192x1024xf32, #tpu.memory_space<hbm>> -> memref<64x1024xf32, #tpu.memory_space<hbm>>
      tpu.wait_dma2 semaphore(%arg6 : memref<!tpu.dma_semaphore, #tpu.memory_space<semaphore_mem>>) src(%dma_wait3A_23 : memref<64x1024xf32, #tpu.memory_space<hbm>>) dst(%arg4 : memref<64x1024xf32, #tpu.memory_space<vmem>>)
      %dma_start3A_24 = arith.constant 0 : i32
      %dma_start3A_25 = arith.constant 0 : i32
      %dma_start3A_26 = tpu.memref_slice %arg3[%dma_start3A_24, %add3A_11, %dma_start3A_25] : memref<4x8192x1024xf32, #tpu.memory_space<hbm>> -> memref<1x64x1024xf32, #tpu.memory_space<hbm>>
      %dma_start3A_27 = tpu.memref_squeeze %dma_start3A_26 : memref<1x64x1024xf32, #tpu.memory_space<hbm>> -> memref<64x1024xf32, #tpu.memory_space<hbm>>
      %dma_start3A_28 = arith.constant 0 : i32
      %dma_start3A_29 = tpu.memref_slice %arg3[%dma_start3A_24, %add3A_11, %dma_start3A_28] : memref<4x8192x1024xf32, #tpu.memory_space<hbm>> -> memref<1x64x1024xf32, #tpu.memory_space<hbm>>
      %dma_start3A_30 = tpu.memref_squeeze %dma_start3A_29 : memref<1x64x1024xf32, #tpu.memory_space<hbm>> -> memref<64x1024xf32, #tpu.memory_space<hbm>>
      tpu.enqueue_dma source(%arg4 : memref<64x1024xf32, #tpu.memory_space<vmem>>) target(%dma_start3A_30 : memref<64x1024xf32, #tpu.memory_space<hbm>>) target_semaphore(%arg6 : memref<!tpu.dma_semaphore, #tpu.memory_space<semaphore_mem>>)
      %dma_start3A_31 = arith.constant 1 : i32
      %dma_start3A_32 = arith.constant 0 : i32
      %dma_start3A_33 = tpu.memref_slice %arg3[%dma_start3A_31, %add3A_11, %dma_start3A_32] : memref<4x8192x1024xf32, #tpu.memory_space<hbm>> -> memref<1x64x1024xf32, #tpu.memory_space<hbm>>
      %dma_start3A_34 = tpu.memref_squeeze %dma_start3A_33 : memref<1x64x1024xf32, #tpu.memory_space<hbm>> -> memref<64x1024xf32, #tpu.memory_space<hbm>>
      %dma_start3A_35 = arith.constant 0 : i32
      %dma_start3A_36 = tpu.memref_slice %arg3[%dma_start3A_31, %add3A_11, %dma_start3A_35] : memref<4x8192x1024xf32, #tpu.memory_space<hbm>> -> memref<1x64x1024xf32, #tpu.memory_space<hbm>>
      %dma_start3A_37 = tpu.memref_squeeze %dma_start3A_36 : memref<1x64x1024xf32, #tpu.memory_space<hbm>> -> memref<64x1024xf32, #tpu.memory_space<hbm>>
      tpu.enqueue_dma source(%arg4 : memref<64x1024xf32, #tpu.memory_space<vmem>>) target(%dma_start3A_37 : memref<64x1024xf32, #tpu.memory_space<hbm>>) target_semaphore(%arg6 : memref<!tpu.dma_semaphore, #tpu.memory_space<semaphore_mem>>)
      %dma_wait3A_38 = arith.constant 0 : i32
      %dma_wait3A_39 = arith.constant 0 : i32
      %dma_wait3A_40 = tpu.memref_slice %arg5[%arg1, %dma_wait3A_38, %dma_wait3A_39] : memref<16x64x1024xf32, #tpu.memory_space<vmem_shared>> -> memref<1x64x1024xf32, #tpu.memory_space<vmem_shared>>
      %dma_wait3A_41 = tpu.memref_squeeze %dma_wait3A_40 : memref<1x64x1024xf32, #tpu.memory_space<vmem_shared>> -> memref<64x1024xf32, #tpu.memory_space<vmem_shared>>
      %dma_wait3A_42 = arith.constant 0 : i32
      %dma_wait3A_43 = tpu.memref_slice %arg2[%add3A_11, %dma_wait3A_42] : memref<8192x1024xf32, #tpu.memory_space<hbm>> -> memref<64x1024xf32, #tpu.memory_space<hbm>>
      tpu.wait_dma2 semaphore(%arg7 : memref<!tpu.dma_semaphore, #tpu.memory_space<semaphore_mem>>) src(%dma_wait3A_43 : memref<64x1024xf32, #tpu.memory_space<hbm>>) dst(%dma_wait3A_41 : memref<64x1024xf32, #tpu.memory_space<vmem_shared>>)
      %dma_start3A_44 = arith.constant 2 : i32
      %dma_start3A_45 = arith.constant 0 : i32
      %dma_start3A_46 = tpu.memref_slice %arg3[%dma_start3A_44, %add3A_11, %dma_start3A_45] : memref<4x8192x1024xf32, #tpu.memory_space<hbm>> -> memref<1x64x1024xf32, #tpu.memory_space<hbm>>
      %dma_start3A_47 = tpu.memref_squeeze %dma_start3A_46 : memref<1x64x1024xf32, #tpu.memory_space<hbm>> -> memref<64x1024xf32, #tpu.memory_space<hbm>>
      %dma_start3A_48 = arith.constant 0 : i32
      %dma_start3A_49 = arith.constant 0 : i32
      %dma_start3A_50 = tpu.memref_slice %arg5[%arg1, %dma_start3A_48, %dma_start3A_49] : memref<16x64x1024xf32, #tpu.memory_space<vmem_shared>> -> memref<1x64x1024xf32, #tpu.memory_space<vmem_shared>>
      %dma_start3A_51 = tpu.memref_squeeze %dma_start3A_50 : memref<1x64x1024xf32, #tpu.memory_space<vmem_shared>> -> memref<64x1024xf32, #tpu.memory_space<vmem_shared>>
      tpu.enqueue_dma source(%dma_start3A_51 : memref<64x1024xf32, #tpu.memory_space<vmem_shared>>) target(%dma_start3A_47 : memref<64x1024xf32, #tpu.memory_space<hbm>>) target_semaphore(%arg7 : memref<!tpu.dma_semaphore, #tpu.memory_space<semaphore_mem>>)
      %dma_start3A_52 = arith.constant 3 : i32
      %dma_start3A_53 = arith.constant 0 : i32
      %dma_start3A_54 = tpu.memref_slice %arg3[%dma_start3A_52, %add3A_11, %dma_start3A_53] : memref<4x8192x1024xf32, #tpu.memory_space<hbm>> -> memref<1x64x1024xf32, #tpu.memory_space<hbm>>
      %dma_start3A_55 = tpu.memref_squeeze %dma_start3A_54 : memref<1x64x1024xf32, #tpu.memory_space<hbm>> -> memref<64x1024xf32, #tpu.memory_space<hbm>>
      %dma_start3A_56 = arith.constant 0 : i32
      %dma_start3A_57 = arith.constant 0 : i32
      %dma_start3A_58 = tpu.memref_slice %arg5[%arg1, %dma_start3A_56, %dma_start3A_57] : memref<16x64x1024xf32, #tpu.memory_space<vmem_shared>> -> memref<1x64x1024xf32, #tpu.memory_space<vmem_shared>>
      %dma_start3A_59 = tpu.memref_squeeze %dma_start3A_58 : memref<1x64x1024xf32, #tpu.memory_space<vmem_shared>> -> memref<64x1024xf32, #tpu.memory_space<vmem_shared>>
      tpu.enqueue_dma source(%dma_start3A_59 : memref<64x1024xf32, #tpu.memory_space<vmem_shared>>) target(%dma_start3A_55 : memref<64x1024xf32, #tpu.memory_space<hbm>>) target_semaphore(%arg7 : memref<!tpu.dma_semaphore, #tpu.memory_space<semaphore_mem>>)
      %dma_wait3A_60 = arith.constant 0 : i32
      %dma_wait3A_61 = arith.constant 0 : i32
      %dma_wait3A_62 = tpu.memref_slice %arg3[%dma_wait3A_60, %add3A_11, %dma_wait3A_61] : memref<4x8192x1024xf32, #tpu.memory_space<hbm>> -> memref<1x64x1024xf32, #tpu.memory_space<hbm>>
      %dma_wait3A_63 = tpu.memref_squeeze %dma_wait3A_62 : memref<1x64x1024xf32, #tpu.memory_space<hbm>> -> memref<64x1024xf32, #tpu.memory_space<hbm>>
      %dma_wait3A_64 = arith.constant 0 : i32
      %dma_wait3A_65 = tpu.memref_slice %arg3[%dma_wait3A_60, %add3A_11, %dma_wait3A_64] : memref<4x8192x1024xf32, #tpu.memory_space<hbm>> -> memref<1x64x1024xf32, #tpu.memory_space<hbm>>
      %dma_wait3A_66 = tpu.memref_squeeze %dma_wait3A_65 : memref<1x64x1024xf32, #tpu.memory_space<hbm>> -> memref<64x1024xf32, #tpu.memory_space<hbm>>
      tpu.wait_dma2 semaphore(%arg6 : memref<!tpu.dma_semaphore, #tpu.memory_space<semaphore_mem>>) src(%arg4 : memref<64x1024xf32, #tpu.memory_space<vmem>>) dst(%dma_wait3A_66 : memref<64x1024xf32, #tpu.memory_space<hbm>>)
      %dma_wait3A_67 = arith.constant 1 : i32
      %dma_wait3A_68 = arith.constant 0 : i32
      %dma_wait3A_69 = tpu.memref_slice %arg3[%dma_wait3A_67, %add3A_11, %dma_wait3A_68] : memref<4x8192x1024xf32, #tpu.memory_space<hbm>> -> memref<1x64x1024xf32, #tpu.memory_space<hbm>>
      %dma_wait3A_70 = tpu.memref_squeeze %dma_wait3A_69 : memref<1x64x1024xf32, #tpu.memory_space<hbm>> -> memref<64x1024xf32, #tpu.memory_space<hbm>>
      %dma_wait3A_71 = arith.constant 0 : i32
      %dma_wait3A_72 = tpu.memref_slice %arg3[%dma_wait3A_67, %add3A_11, %dma_wait3A_71] : memref<4x8192x1024xf32, #tpu.memory_space<hbm>> -> memref<1x64x1024xf32, #tpu.memory_space<hbm>>
      %dma_wait3A_73 = tpu.memref_squeeze %dma_wait3A_72 : memref<1x64x1024xf32, #tpu.memory_space<hbm>> -> memref<64x1024xf32, #tpu.memory_space<hbm>>
      tpu.wait_dma2 semaphore(%arg6 : memref<!tpu.dma_semaphore, #tpu.memory_space<semaphore_mem>>) src(%arg4 : memref<64x1024xf32, #tpu.memory_space<vmem>>) dst(%dma_wait3A_73 : memref<64x1024xf32, #tpu.memory_space<hbm>>)
      %dma_wait3A_74 = arith.constant 2 : i32
      %dma_wait3A_75 = arith.constant 0 : i32
      %dma_wait3A_76 = tpu.memref_slice %arg3[%dma_wait3A_74, %add3A_11, %dma_wait3A_75] : memref<4x8192x1024xf32, #tpu.memory_space<hbm>> -> memref<1x64x1024xf32, #tpu.memory_space<hbm>>
      %dma_wait3A_77 = tpu.memref_squeeze %dma_wait3A_76 : memref<1x64x1024xf32, #tpu.memory_space<hbm>> -> memref<64x1024xf32, #tpu.memory_space<hbm>>
      %dma_wait3A_78 = arith.constant 0 : i32
      %dma_wait3A_79 = arith.constant 0 : i32
      %dma_wait3A_80 = tpu.memref_slice %arg5[%arg1, %dma_wait3A_78, %dma_wait3A_79] : memref<16x64x1024xf32, #tpu.memory_space<vmem_shared>> -> memref<1x64x1024xf32, #tpu.memory_space<vmem_shared>>
      %dma_wait3A_81 = tpu.memref_squeeze %dma_wait3A_80 : memref<1x64x1024xf32, #tpu.memory_space<vmem_shared>> -> memref<64x1024xf32, #tpu.memory_space<vmem_shared>>
      tpu.wait_dma2 semaphore(%arg7 : memref<!tpu.dma_semaphore, #tpu.memory_space<semaphore_mem>>) src(%dma_wait3A_81 : memref<64x1024xf32, #tpu.memory_space<vmem_shared>>) dst(%dma_wait3A_77 : memref<64x1024xf32, #tpu.memory_space<hbm>>)
      %dma_wait3A_82 = arith.constant 3 : i32
      %dma_wait3A_83 = arith.constant 0 : i32
      %dma_wait3A_84 = tpu.memref_slice %arg3[%dma_wait3A_82, %add3A_11, %dma_wait3A_83] : memref<4x8192x1024xf32, #tpu.memory_space<hbm>> -> memref<1x64x1024xf32, #tpu.memory_space<hbm>>
      %dma_wait3A_85 = tpu.memref_squeeze %dma_wait3A_84 : memref<1x64x1024xf32, #tpu.memory_space<hbm>> -> memref<64x1024xf32, #tpu.memory_space<hbm>>
      %dma_wait3A_86 = arith.constant 0 : i32
      %dma_wait3A_87 = arith.constant 0 : i32
      %dma_wait3A_88 = tpu.memref_slice %arg5[%arg1, %dma_wait3A_86, %dma_wait3A_87] : memref<16x64x1024xf32, #tpu.memory_space<vmem_shared>> -> memref<1x64x1024xf32, #tpu.memory_space<vmem_shared>>
      %dma_wait3A_89 = tpu.memref_squeeze %dma_wait3A_88 : memref<1x64x1024xf32, #tpu.memory_space<vmem_shared>> -> memref<64x1024xf32, #tpu.memory_space<vmem_shared>>
      tpu.wait_dma2 semaphore(%arg7 : memref<!tpu.dma_semaphore, #tpu.memory_space<semaphore_mem>>) src(%dma_wait3A_89 : memref<64x1024xf32, #tpu.memory_space<vmem_shared>>) dst(%dma_wait3A_85 : memref<64x1024xf32, #tpu.memory_space<hbm>>)
    }
    %scan3A_7 = arith.constant 4 : i32
    return
  }
}

</mosaic_0001>

<sc_bundles>
// kernel: kernel.3.cloned.1.call-start
scs
__scs_entry_jumppad:
0x0: {  	(pc) =	sbr.rel $0x88, $3  }
0x1: {  	(tag) =	ssettag $0x0;
	lr =	simm.s32 $0x1  }
0x2: {  	[smem:$0x3FA0] =	sst lr;
	_ =	strace $0xD0000000  }
0x3: {  	_ = 	snop  }
0x4: {  	_ = 	snop  }
0x5: {  	_ = 	snop  }
0x6: {  	_ = 	snop  }
0x7: {  	_ = 	snop  }
__scs_overlays_trampoline_lowered:
0x8: {  	[smem:$0x3FAF] =	sst s0  }
0x9: {  	[smem:$0x3FB0] =	sst s1  }
0xa: {  	[smem:$0x3FB1] =	sst s2  }
0xb: {  	[smem:$0x3FB2] =	sst s3  }
0xc: {  	[smem:$0x3FB3] =	sst s4  }
0xd: {  	[smem:$0x3FB4] =	sst s5  }
0xe: {  	[smem:$0x3FB5] =	sst s6  }
0xf: {  	[smem:$0x3FB6] =	sst s7  }
0x10: {  	[smem:$0x3FB7] =	sst s8  }
0x11: {  	[smem:$0x3FB8] =	sst s9;
	s0 =	simm.s32 @!p0 $0x0  }
0x12: {  	s1 =	sld [smem:$0x3F9E];
	s0 =	simm.s32 @p0 $0x1  }
0x13: {  	[smem:$0x3FB9] =	sst s0;
	s0 =	simm.s32 @!p1 $0x0  }
0x14: {  	s2 =	sld [smem:$0x3F9D];
	s0 =	simm.s32 @p1 $0x1  }
0x15: {  	[smem:$0x3FBA] =	sst s0;
	s0 =	simm.s32 @!p2 $0x0  }
0x16: {  	s3 =	sld [smem:$0x3FDB];
	s0 =	simm.s32 @p2 $0x1  }
0x17: {  	s4 =	simm.s32 $0x1BF5;
	[smem:$0x3FBC] =	sst s0  }
0x18: {  	s0 =	sld [smem:$0x3F9F];
	_ =	swait.ge [sflag:s4], $0x0  }
0x19: {  	s7 =	sld [smem:$0x3FA0]  }
0x1a: {  	s8 =	sadd.s32 $0xFFFFE003, lr  }
0x1b: {  	s9 =	sadd.s32 $0xFFFFFEF7, lr;
	s5 =	simm.s32 $0xFFFFFFFF;
	p2 =	slt.u32 s8, $0xFFFFF086  }
0x1c: {  	p1 =	slt.u32 s9, $0xF7A;
	s5 =	simm.s32 @!p2 $0x0  }
0x1d: {  	s5 =	simm.s32 @p1 $0x1;
	p0 =	seq.s32 s7, s2  }
0x1e: {  	s7 =	smul.u32 @!p0 $0xF7A, s2;
	p2 =	seq.s32 @!p0 s5, $0x0  }
0x1f: {  	s9 =	smul.u32 $0xF7A, s1;
	s8 =	simm.s32 @!p0 $0x1BF5;
	p2 =	por !p2, p0  }
0x20: {  	[sflag:s8] =	ssyncset.s32 @!p0 $0xFFFFF086;
	s6 =	sadd.s32 @!p0 s3, s7;
	s7 =	simm.s32 @!p0 $0x108  }
0x21: {  	s3 =	sadd.s32 s3, s9;
	s6 =	sadd.s32 @!p0 $0x88, s6;
	s7 =	simm.s32 @p2 $0x1082  }
0x22: {  	[simem:s7], [sflag:s8] =	dma.local @!p0 [hbm:s6], $0xF7A  }
0x23: {  	s9 =	sor.u32 $0xD0000000, s2;
	s6 =	simm.s32 $0x108;
	_ =	swait.ge @!p0 [sflag:s8], $0x0  }
0x24: {  	s3 =	sadd.s32 $0x88, s3;
	s6 =	simm.s32 @!p1 $0x1082;
	[sflag:s4] =	ssyncset.s32 $0xFFFFF086  }
0x25: {  	[simem:s6], [sflag:s4] =	dma.local [hbm:s3], $0xF7A  }
0x26: {  	[smem:$0x3FA0] =	sst s1;
	(tag) =	ssettag s2;
	_ =	strace s9  }
0x27: {  	s1 =	sld [smem:$0x3FB0]  }
0x28: {  	s2 =	sld [smem:$0x3FB1]  }
0x29: {  	s4 =	sld [smem:$0x3FB3]  }
0x2a: {  	p0 =	seq.s32 s5, $0x0;
	s5 =	sld [smem:$0x3FB4]  }
0x2b: {  	s6 =	sld [smem:$0x3FB5]  }
0x2c: {  	s7 =	sld [smem:$0x3FB6]  }
0x2d: {  	s3 =	simm.s32 $0x108;
	s8 =	sld [smem:$0x3FB7]  }
0x2e: {  	s3 =	simm.s32 @!p0 $0x1082;
	s9 =	sld [smem:$0x3FB8]  }
0x2f: {  	lr =	sadd.s32 s0, s3;
	s0 =	sld [smem:$0x3FAF]  }
0x30: {  	s3 =	sld [smem:$0x3FB2]  }
0x31: {  	[smem:$0x3FBB] =	sst s10  }
0x32: {  	s10 =	sld [smem:$0x3FB9];
	_ =	sdelay $0x3  }
0x33: {  	p0 =	seq.s32 s10, $0x1;
	s10 =	sld [smem:$0x3FBB];
	_ =	sdelay $0x3  }
0x34: {  	[smem:$0x3FBB] =	sst s10  }
0x35: {  	s10 =	sld [smem:$0x3FBA];
	_ =	sdelay $0x3  }
0x36: {  	p1 =	seq.s32 s10, $0x1;
	s10 =	sld [smem:$0x3FBB];
	_ =	sdelay $0x3  }
0x37: {  	[smem:$0x3FBB] =	sst s10  }
0x38: {  	s10 =	sld [smem:$0x3FBC]  }
0x39: {  	_ = 	snop;
	(pc) =	sbr.ind lr, $3  }
0x3a: {  	_ = 	snop  }
0x3b: {  	_ = 	snop  }
0x3c: {  	p2 =	seq.s32 s10, $0x1;
	s10 =	sld [smem:$0x3FBB]  }
0x3d: {  	_ =	shalt  }
0x3e: {  	_ =	shalt  }
0x3f: {  	_ =	shalt  }
0x40: {  	_ =	shalt  }
0x41: {  	_ =	shalt  }
0x42: {  	_ =	shalt  }
0x43: {  	_ =	shalt  }
0x44: {  	_ =	shalt  }
0x45: {  	_ =	shalt  }
0x46: {  	_ =	shalt  }
0x47: {  	_ =	shalt  }
0x48: {  	_ =	shalt  }
0x49: {  	_ =	shalt  }
0x4a: {  	_ =	shalt  }
0x4b: {  	_ =	shalt  }
0x4c: {  	_ =	shalt  }
0x4d: {  	_ =	shalt  }
0x4e: {  	_ =	shalt  }
0x4f: {  	_ =	shalt  }
0x50: {  	_ =	shalt  }
0x51: {  	_ =	shalt  }
0x52: {  	_ =	shalt  }
0x53: {  	_ =	shalt  }
0x54: {  	_ =	shalt  }
0x55: {  	_ =	shalt  }
0x56: {  	_ =	shalt  }
0x57: {  	_ =	shalt  }
0x58: {  	_ =	shalt  }
0x59: {  	_ =	shalt  }
0x5a: {  	_ =	shalt  }
0x5b: {  	_ =	shalt  }
0x5c: {  	_ =	shalt  }
0x5d: {  	_ =	shalt  }
0x5e: {  	_ =	shalt  }
0x5f: {  	_ =	shalt  }
0x60: {  	_ =	shalt  }
0x61: {  	_ =	shalt  }
0x62: {  	_ =	shalt  }
0x63: {  	_ =	shalt  }
0x64: {  	_ =	shalt  }
0x65: {  	_ =	shalt  }
0x66: {  	_ =	shalt  }
0x67: {  	_ =	shalt  }
0x68: {  	_ =	shalt  }
0x69: {  	_ =	shalt  }
0x6a: {  	_ =	shalt  }
0x6b: {  	_ =	shalt  }
0x6c: {  	_ =	shalt  }
0x6d: {  	_ =	shalt  }
0x6e: {  	_ =	shalt  }
0x6f: {  	_ =	shalt  }
0x70: {  	_ =	shalt  }
0x71: {  	_ =	shalt  }
0x72: {  	_ =	shalt  }
0x73: {  	_ =	shalt  }
0x74: {  	_ =	shalt  }
0x75: {  	_ =	shalt  }
0x76: {  	_ =	shalt  }
0x77: {  	_ =	shalt  }
0x78: {  	_ =	shalt  }
0x79: {  	_ =	shalt  }
0x7a: {  	_ =	shalt  }
0x7b: {  	_ =	shalt  }
0x7c: {  	_ =	shalt  }
0x7d: {  	_ =	shalt  }
0x7e: {  	_ =	shalt  }
0x7f: {  	_ =	shalt  }
0x80: {  	_ =	shalt  }
0x81: {  	_ =	shalt  }
0x82: {  	_ =	shalt  }
0x83: {  	_ =	shalt  }
0x84: {  	_ =	shalt  }
0x85: {  	_ =	shalt  }
0x86: {  	_ =	shalt  }
0x87: {  	_ =	shalt  }
.Lfunc_end0:
.L_simem_size_0:
called_computation_lowered:
.L_overlay_start_0:
0x88: {  	s2 =	sld [smem:$0x3FD9]  }
0x89: {  	s3 =	sld [smem:$0x3FFE];
	_ =	sdelay $0x1  }
0x8a: {  	s1 =	srdreg.scid  }
0x8b: {  	s0 =	sand.u32 $0x1, s1  }
0x8c: {  	s18 =	sshll.u32 s0, $0xA;
	s2 =	sadd.s32 s3, s2  }
0x8d: {  	s2 =	sadd.s32 s2, s18  }
0x8e: {  	[smem:$0x3FC7] =	sst s2  }
0x8f: {  	_ = 	snop  }
0x90: {  	s2 =	sld [smem:$0x3FC9]  }
0x91: {  	s19 =	sld [smem:$0x3FD0];
	(tm) =	ssettm $0x1  }
0x92: {  	s4 =	sld [smem:$0x3FFB];
	_ =	sdelay $0x3  }
0x93: {  	_ =	strace s4  }
0x94: {  	s4 =	sld [smem:$0x3FFC];
	_ =	sdelay $0x3  }
0x95: {  	_ =	strace s4  }
0x96: {  	s4 =	sld [smem:$0x3FFD];
	_ =	sdelay $0x3  }
0x97: {  	_ =	strace s4  }
0x98: {  	_ =	strace $0x8FFFFFFF  }
0x99: {  	s20 =	sld [smem:$0x3FDB];
	_ =	sdelay $0x1  }
0x9a: {  	s5 =	simm.s32 $_scs_section_size  }
0x9b: {  	s6 =	simm.s32 $_size__tile_overlayer_lowered;
	s7 =	simm.s32 $_tile_overlayer_lowered  }
0x9c: {  	s23 =	simm.s32 $0x1BFF;
	s22 =	sshll.u32 s7, $0x1;
	s4 =	sadd.s32 s5, s20  }
0x9d: {  	s8 =	simm.s32 $0x0;
	s21 =	sshll.u32 s6, $0x1;
	s6 =	sadd.s32 s22, s4  }
0x9e: {  	[timem:s8], [sflag:s23] =	dma.local [hbm:s6], s21  }
0x9f: {  	_ =	swait.ge [sflag:s23], s21  }
0xa0: {  	s5 =	ssub.s32 $0x0, s21;
	[sflag:s23] =	ssyncset.done $0x0  }
0xa1: {  	[sflag:s23] =	ssyncadd.s32 s5;
	_ =	sdelay $0x1  }
0xa2: {  	s24 =	simm.s32 $0x1B8B  }
0xa3: {  	_ =	swait.ge [sflag:s24], $0x1  }
0xa4: {  	[sflag:s24] =	ssyncset.done $0x0  }
0xa5: {  	s25 =	simm.s32 $0x1B8E;
	[sflag:s24] =	ssyncadd.s32 $0xFFFFFFFF  }
0xa6: {  	s26 =	simm.s32 $execute0_lowered;
	[smem:$0x3FD2] =	sst s25  }
0xa7: {  	s5 =	sshll.u32 s26, $0x1;
	_ =	strace $0x80000046;
	[dreg:$0x1] =	wrdreg $0xFFFFFFFF  }
0xa8: {  	s28 =	simm.s32 $_size_execute0_lowered;
	s4 =	sadd.s32 s4, s5;
	[dreg:$0x0] =	wrdreg $0x0  }
0xa9: {  	s5 =	sshll.u32 s28, $0x1;
	[dreg:$0x2] =	wrdreg s4  }
0xaa: {  	[dreg:$0x3] =	wrdreg s5  }
0xab: {  	[dreg:$0x4] =	wrdreg $0xC0  }
0xac: {  	_ =	task [dreg:s8], $0x5FFFF  }
0xad: {  	[dreg:$0x1] =	wrdreg $0xFFFFFFFF  }
0xae: {  	[dreg:$0x0] =	wrdreg $0x60  }
0xaf: {  	[dreg:$0x2] =	wrdreg s2  }
0xb0: {  	[dreg:$0x3] =	wrdreg s19  }
0xb1: {  	[dreg:$0x4] =	wrdreg $0x100000  }
0xb2: {  	[dreg:$0x5] =	wrdreg $0x9  }
0xb3: {  	_ =	task.clear_ibuf [dreg:s8], $0x6FFFF;
	_ =	strace $0x90000046  }
0xb4: {  	s29 =	simm.s32 $0x9;
	_ =	strace $0x80000048  }
0xb5: {  	_ =	swait.ge [sflag:s29], $0x1  }
0xb6: {  	[sflag:s29] =	ssyncadd.s32 $0xFFFFFFFF  }
0xb7: {  	_ =	strace $0x90000048  }
0xb8: {  	_ =	sfence  }
0xb9: {  	s30 =	sld [smem:$0x0];
	_ =	sdelay $0x2  }
0xba: {  	s31 =	sshll.u32 s1, $0xD;
	s1 =	sshrl.u32 s1, $0x2  }
0xbb: {  	s3 =	sand.u32 $0x4000, s31;
	s1 =	sadd.s32 s1, s30  }
0xbc: {  	s0 =	sor.u32 s3, s0;
	s1 =	sshll.u32 s1, $0x11  }
0xbd: {  	s0 =	sor.u32 s1, s0  }
0xbe: {  	s0 =	sadd.s32 $0x8F2B, s0  }
0xbf: {  	[sflag:s0] =	ssyncadd.remote.s32 $0x1  }
0xc0: {  	_ =	sfence.sel $0xFFFF  }
0xc1: {  	[dreg:$0x0] =	wrdreg $0xFFFFFFFF;
	(pc) =	sbr.abs _section_cstart, $3  }
0xc2: {  	[dreg:$0x1] =	wrdreg $0xFFFFFFFF  }
0xc3: {  	_ =	task.clear_ibuf [dreg:s8], $0x2FFFF;
	_ =	strace $0x9FFFFFFF  }
0xc4: {  	(tm) =	ssettm $0x7FFFFFFF  }
0xc5: {  	_ =	shalt  }
tec
execute0_lowered:
.L_overlay_start_1:
0x0: {  	(tag) =	ssettag $0x1  }
0x1: {  	s5 =	rddreg [dreg:$0x0]  }
0x2: {  	s4 =	rddreg [dreg:$0x1]  }
0x3: {  	s3 =	rddreg [dreg:$0x2]  }
0x4: {  	s2 =	srdreg.scid;
	s0 =	rddreg [dreg:$0x3];
	s1 =	simm.s32 $0x0  }
0x5: {  	s10 =	simm.s32 $0x0;
	s6 =	sand.u32 $0x1, s2;
	[smem:$0x7FF] =	sst s1  }
0x6: {  	s2 =	stileid.u32;
	s7 =	ssub.s32 $0x2, s6;
	_ =	strace $0x80000047  }
0x7: {  	s30 =	sshll.u32 s2, $0x10;
	s6 =	sshll.u32 s6, $0xF;
	s31 =	sshll.u32 s2, $0x6  }
0x8: {  	s8 =	sshrl.u32 s7, $0x1;
	s9 =	sadd.s32 s30, s3;
	s4 =	sadd.s32 s30, s4  }
0x9: {  	s5 =	sadd.s32 s30, s5;
	s7 =	ssub.s32 s7, s8;
	s4 =	sadd.s32 s6, s4  }
0xa: {  	s5 =	sadd.s32 s6, s5;
	s6 =	sor.u32 $0x1C02, s31;
	s8 =	simm.s32 $0x1  }
0xb: {  	s3 =	smax.u32 s7, $0x1;
	s7 =	sshrl.u32 s9, $0x3;
	s9 =	simm.s32 $0x2  }
.LBB2_1:
0xc: {  	s11 =	sadd.s32 $0x0, s5  }
0xd: {  	[tilespmem:s1], [sflag:$0x1] =	stream.linear.gather [hbm4b:s11+s1], $0x10000, $0x38;
	v63 =	vld [tilespmem:$0x0]  }
0xe: {  	[spmem:s7], [sflag:s6] =	dma.local [hbm:s11], $0x2000  }
0xf: {  	_ =	swait.ge [sflag:s8], $0x10000  }
0x10: {  	[sflag:s8] =	ssyncset.done $0x0  }
0x11: {  	s30 =	sadd.s32 $0x0, s4;
	[sflag:s8] =	ssyncadd.s32 $0xFFFF0000  }
0x12: {  	[hbm4b:s30+s1] =	stream.linear.scatter [tilespmem:s1], [sflag:$0x1], $0x10000, $0x38;
	v63 =	vld [tilespmem:$0x0]  }
0x13: {  	s12 =	sadd.s32 $0x100000, s30  }
0x14: {  	[hbm4b:s12+s1] =	stream.linear.scatter [tilespmem:s1], [sflag:$0x1], $0x10000, $0x38;
	v63 =	vld [tilespmem:$0x0]  }
0x15: {  	_ =	swait.ge [sflag:s9], $0x2000  }
0x16: {  	[sflag:s9] =	ssyncset.done $0x0  }
0x17: {  	s31 =	sadd.s32 $0x200000, s30;
	s11 =	sadd.s32 $0x300000, s30;
	[sflag:s9] =	ssyncadd.s32 $0xFFFFE000  }
0x18: {  	[hbm:s31], [sflag:s6] =	dma.local [spmem:s7], $0x2000  }
0x19: {  	[hbm:s11], [sflag:s6] =	dma.local [spmem:s7], $0x2000  }
0x1a: {  	_ =	swait.ge [sflag:s8], $0x10000  }
0x1b: {  	[sflag:s8] =	ssyncset.done $0x0  }
0x1c: {  	[sflag:s8] =	ssyncadd.s32 $0xFFFF0000  }
0x1d: {  	_ =	swait.ge [sflag:s8], $0x10000  }
0x1e: {  	[sflag:s8] =	ssyncset.done $0x0  }
0x1f: {  	[sflag:s8] =	ssyncadd.s32 $0xFFFF0000  }
0x20: {  	_ =	swait.ge [sflag:s9], $0x2000  }
0x21: {  	[sflag:s9] =	ssyncset.done $0x0  }
0x22: {  	[sflag:s9] =	ssyncadd.s32 $0xFFFFE000  }
0x23: {  	_ =	swait.ge [sflag:s9], $0x2000  }
0x24: {  	s12 =	simm.s32 $0x4000;
	s11 =	simm.s32 $0x2000;
	[sflag:s9] =	ssyncset.done $0x0  }
.LBB2_2:
0x25: {  	s13 =	sadd.s32 s11, s5  }
0x26: {  	[sflag:s9] =	ssyncadd.s32 $0xFFFFE000;
	s14 =	smov.u32 s12;
	s15 =	sadd.s32 $0x2000, s12  }
0x27: {  	[tilespmem:s1], [sflag:$0x1] =	stream.linear.gather [hbm4b:s13+s1], $0x10000, $0x38;
	v63 =	vld [tilespmem:$0x0]  }
0x28: {  	[spmem:s7], [sflag:s6] =	dma.local [hbm:s13], $0x2000  }
0x29: {  	p0 =	sne.s32 s12, $0x6000;
	_ =	swait.ge [sflag:s8], $0x10000  }
0x2a: {  	[sflag:s8] =	ssyncset.done $0x0  }
0x2b: {  	s12 =	sadd.s32 s11, s4;
	s11 =	smov.u32 s14;
	[sflag:s8] =	ssyncadd.s32 $0xFFFF0000  }
0x2c: {  	[hbm4b:s12+s1] =	stream.linear.scatter [tilespmem:s1], [sflag:$0x1], $0x10000, $0x38;
	v63 =	vld [tilespmem:$0x0]  }
0x2d: {  	s13 =	sadd.s32 $0x100000, s12  }
0x2e: {  	[hbm4b:s13+s1] =	stream.linear.scatter [tilespmem:s1], [sflag:$0x1], $0x10000, $0x38;
	v63 =	vld [tilespmem:$0x0]  }
0x2f: {  	_ =	swait.ge [sflag:s9], $0x2000  }
0x30: {  	[sflag:s9] =	ssyncset.done $0x0  }
0x31: {  	s13 =	sadd.s32 $0x200000, s12;
	s12 =	sadd.s32 $0x300000, s12;
	[sflag:s9] =	ssyncadd.s32 $0xFFFFE000  }
0x32: {  	[hbm:s13], [sflag:s6] =	dma.local [spmem:s7], $0x2000  }
0x33: {  	[hbm:s12], [sflag:s6] =	dma.local [spmem:s7], $0x2000  }
0x34: {  	_ =	swait.ge [sflag:s8], $0x10000  }
0x35: {  	[sflag:s8] =	ssyncset.done $0x0  }
0x36: {  	[sflag:s8] =	ssyncadd.s32 $0xFFFF0000  }
0x37: {  	_ =	swait.ge [sflag:s8], $0x10000  }
0x38: {  	[sflag:s8] =	ssyncset.done $0x0  }
0x39: {  	[sflag:s8] =	ssyncadd.s32 $0xFFFF0000  }
.Ltmp0:
0x3a: {  	_ =	swait.ge [sflag:s9], $0x2000;
	(pc) =	sbr.rel @p0 .LBB2_2-.Ltmp0, $4  }
0x3b: {  	[sflag:s9] =	ssyncset.done $0x0  }
0x3c: {  	[sflag:s9] =	ssyncadd.s32 $0xFFFFE000  }
0x3d: {  	_ =	swait.ge [sflag:s9], $0x2000  }
0x3e: {  	s12 =	smov.u32 s15;
	[sflag:s9] =	ssyncset.done $0x0  }
0x3f: {  	s12 =	sadd.s32 s11, s5;
	[sflag:s9] =	ssyncadd.s32 $0xFFFFE000  }
0x40: {  	[tilespmem:s1], [sflag:$0x1] =	stream.linear.gather [hbm4b:s12+s1], $0x10000, $0x38;
	v63 =	vld [tilespmem:$0x0]  }
0x41: {  	[spmem:s7], [sflag:s6] =	dma.local [hbm:s12], $0x2000  }
0x42: {  	_ =	swait.ge [sflag:s8], $0x10000  }
0x43: {  	[sflag:s8] =	ssyncset.done $0x0  }
0x44: {  	s29 =	sadd.s32 s11, s4;
	[sflag:s8] =	ssyncadd.s32 $0xFFFF0000  }
0x45: {  	[hbm4b:s29+s1] =	stream.linear.scatter [tilespmem:s1], [sflag:$0x1], $0x10000, $0x38;
	v63 =	vld [tilespmem:$0x0]  }
0x46: {  	s30 =	sadd.s32 $0x100000, s29  }
0x47: {  	[hbm4b:s30+s1] =	stream.linear.scatter [tilespmem:s1], [sflag:$0x1], $0x10000, $0x38;
	v63 =	vld [tilespmem:$0x0]  }
0x48: {  	_ =	swait.ge [sflag:s9], $0x2000  }
0x49: {  	[sflag:s9] =	ssyncset.done $0x0  }
0x4a: {  	s31 =	sadd.s32 $0x200000, s29;
	s11 =	sadd.s32 $0x300000, s29;
	[sflag:s9] =	ssyncadd.s32 $0xFFFFE000  }
0x4b: {  	[hbm:s31], [sflag:s6] =	dma.local [spmem:s7], $0x2000  }
0x4c: {  	[hbm:s11], [sflag:s6] =	dma.local [spmem:s7], $0x2000  }
0x4d: {  	_ =	swait.ge [sflag:s8], $0x10000  }
0x4e: {  	[sflag:s8] =	ssyncset.done $0x0  }
0x4f: {  	[sflag:s8] =	ssyncadd.s32 $0xFFFF0000  }
0x50: {  	_ =	swait.ge [sflag:s8], $0x10000  }
0x51: {  	[sflag:s8] =	ssyncset.done $0x0  }
0x52: {  	s10 =	sadd.s32 $0x1, s10;
	[sflag:s8] =	ssyncadd.s32 $0xFFFF0000  }
0x53: {  	p0 =	sne.s32 s10, s3;
	_ =	swait.ge [sflag:s9], $0x2000  }
.Ltmp1:
0x54: {  	[sflag:s9] =	ssyncset.done $0x0;
	(pc) =	sbr.rel @p0 .LBB2_1-.Ltmp1, $4  }
0x55: {  	[sflag:s9] =	ssyncadd.s32 $0xFFFFE000  }
0x56: {  	_ =	swait.ge [sflag:s9], $0x2000  }
0x57: {  	[sflag:s9] =	ssyncset.done $0x0  }
0x58: {  	[sflag:s9] =	ssyncadd.s32 $0xFFFFE000  }
0x59: {  	_ =	sfence.sel $0x180000  }
0x5a: {  	[bflag:$0x0] =	sbarrier.arrive $0xFFFF  }
0x5b: {  	p0 =	sne.s32 s2, $0x0;
	_ =	strace $0x90000047  }
0x5c: {  	s0 =	sadd.s32 @!p0 $0x100000, s0;
	[bflag:$0x2] =	sbarrier.arrive $0xFFFF  }
0x5d: {  	[sflag:s0] =	ssyncadd.tile.s32 @!p0 $0x1;
	_ =	shalt  }
.Lfunc_end2:
_tile_overlayer_lowered:
.L_overlay_start_2:
0x5e: {  	(tag) =	ssettag $0x2  }
0x5f: {  	s0 =	rddreg [dreg:$0x0];
	s2 =	stileid.u32  }
0x60: {  	s1 =	rddreg [dreg:$0x1];
	p0 =	sne.s32 s2, $0x0  }
0x61: {  	s3 =	rddreg [dreg:$0x2];
	[bflag:$0x3] =	sbarrier.arrive $0xFFFF;
	s2 =	simm.s32 @!p0 $0x1C03  }
0x62: {  	[timem:s3], [sflag:s2] =	dma.local @!p0 [hbm:s0], s1  }
0x63: {  	s0 =	simm.s32 @!p0 $0x3  }
0x64: {  	_ =	swait.ge @!p0 [sflag:s0], s1  }
0x65: {  	s1 =	ssub.s32 @!p0 $0x0, s1;
	[sflag:s0] =	ssyncset.done @!p0 $0x0  }
0x66: {  	[sflag:s0] =	ssyncadd.s32 @!p0 s1  }
0x67: {  	[bflag:$0x3] =	sbarrier.arrive $0xFFFF  }
0x68: {  	_ =	shalt  }

</sc_bundles>
